<compile_context>
chip_gen: v7x
topology: tpu7x:2x2x1
jax: 0.10.2.dev20260603
libtpu: 0.0.44.dev20260713+nightly
codegen_flags: <defaults>
</compile_context>

<pallas_src>
import functools

import jax
import jax.numpy as jnp
from jax import lax
from jax.experimental import pallas as pl
from jax.experimental.pallas import tpu as pltpu
from jax.experimental.pallas import tpu_sc as plsc

LAT_BINS = 100000
LON_BINS = 100000
EMBED_DIM = 64
BATCH = 16384

_info = plsc.get_sparse_core_info()
_NC = _info.num_cores
_NS = _info.num_subcores
_NW = _NC * _NS
_BPW = BATCH // _NW
_CH = 128
_NCHUNK = _BPW // _CH


def _body(lat_idx_hbm, lon_idx_hbm, lat_t_hbm, lon_t_hbm, out_hbm,
          lat_idx_v, lon_idx_v, lat_v, lon_v, sem1, sem2):
    wid = lax.axis_index("s") * _NC + lax.axis_index("c")
    base = wid * _BPW
    pltpu.sync_copy(lat_idx_hbm.at[pl.ds(base, _BPW)], lat_idx_v)
    pltpu.sync_copy(lon_idx_hbm.at[pl.ds(base, _BPW)], lon_idx_v)
    for c in range(_NCHUNK):
        cp1 = pltpu.async_copy(
            lat_t_hbm.at[lat_idx_v.at[pl.ds(c * _CH, _CH)]], lat_v, sem1)
        cp2 = pltpu.async_copy(
            lon_t_hbm.at[lon_idx_v.at[pl.ds(c * _CH, _CH)]], lon_v, sem2)
        cp1.wait()
        pltpu.sync_copy(
            lat_v, out_hbm.at[pl.ds(base + c * _CH, _CH), pl.ds(0, EMBED_DIM)])
        cp2.wait()
        pltpu.sync_copy(
            lon_v,
            out_hbm.at[pl.ds(base + c * _CH, _CH), pl.ds(EMBED_DIM, EMBED_DIM)])


def kernel(latitudes, longitudes, lat_table, lon_table):
    mesh = plsc.VectorSubcoreMesh(core_axis_name="c", subcore_axis_name="s")
    k = functools.partial(
        pl.kernel,
        mesh=mesh,
        out_type=jax.ShapeDtypeStruct((BATCH, 2 * EMBED_DIM), jnp.float32),
        compiler_params=pltpu.CompilerParams(use_tc_tiling_on_sc=False),
        scratch_types=[
            pltpu.VMEM((_BPW,), jnp.int32),
            pltpu.VMEM((_BPW,), jnp.int32),
            pltpu.VMEM((_CH, EMBED_DIM), jnp.float32),
            pltpu.VMEM((_CH, EMBED_DIM), jnp.float32),
            pltpu.SemaphoreType.DMA,
            pltpu.SemaphoreType.DMA,
        ],
    )(_body)
    return k(latitudes, longitudes, lat_table, lon_table)

# --- scband reference (transcript-rebuilt; emitter-appended) ---
"""Pipeline reference for scband-lat-long-embedding-38208029066056 (READ-ONLY COPY).

The authoritative reference and input builder live on the scoring server;
editing this copy changes nothing except your own understanding.
"""

import jax, jax.numpy as jnp
import numpy as np

LAT_BINS = 100000
LON_BINS = 100000
EMBED_DIM = 64
BATCH = 16384


def setup_inputs(seed: int = 0) -> dict:
    key = jax.random.key(seed)
    k1, k2, k3, k4 = jax.random.split(key, 4)
    latitudes = jax.random.randint(k1, (BATCH,), 0, LAT_BINS, dtype=jnp.int64 if jax.config.jax_enable_x64 else jnp.int32).astype(jnp.int32)
    longitudes = jax.random.randint(k2, (BATCH,), 0, LON_BINS, dtype=jnp.int64 if jax.config.jax_enable_x64 else jnp.int32).astype(jnp.int32)
    lat_table = jax.random.normal(k3, (LAT_BINS, EMBED_DIM), dtype=jnp.float32)
    lon_table = jax.random.normal(k4, (LON_BINS, EMBED_DIM), dtype=jnp.float32)
    return {"latitudes": latitudes, "longitudes": longitudes, "lat_table": lat_table, "lon_table": lon_table}


def reference(latitudes, longitudes, lat_table, lon_table):
    # nn.Embedding lookup == row gather from table
    lat_embeds = jnp.take(lat_table, latitudes, axis=0)
    lon_embeds = jnp.take(lon_table, longitudes, axis=0)
    combined_embeds = jnp.concatenate([lat_embeds, lon_embeds], axis=-1)
    return combined_embeds

if __name__ == "__main__":
    import jax
    _d = setup_inputs()
    print(jax.jit(kernel)(*tuple(_d.values())))

</pallas_src>

<mosaic_0001>
#map = affine_map<(d0, d1) -> (0)>
#map1 = affine_map<(d0, d1) -> (0, 0)>
module attributes {stable_mosaic.version = 14 : i64} {
  func.func @_body(%arg0: i32, %arg1: i32, %arg2: memref<16384xi32, #tpu.memory_space<hbm>>, %arg3: memref<16384xi32, #tpu.memory_space<hbm>>, %arg4: memref<100000x64xf32, #tpu.memory_space<hbm>>, %arg5: memref<100000x64xf32, #tpu.memory_space<hbm>>, %arg6: memref<16384x128xf32, #tpu.memory_space<hbm>>, %arg7: memref<512xi32, #tpu.memory_space<vmem>>, %arg8: memref<512xi32, #tpu.memory_space<vmem>>, %arg9: memref<128x64xf32, #tpu.memory_space<vmem>>, %arg10: memref<128x64xf32, #tpu.memory_space<vmem>>, %arg11: memref<!tpu.dma_semaphore, #tpu.memory_space<semaphore_mem>>, %arg12: memref<!tpu.dma_semaphore, #tpu.memory_space<semaphore_mem>>) attributes {dimension_semantics = [#tpu.dimension_semantics<core_parallel>, #tpu.dimension_semantics<subcore_parallel>], iteration_bounds = array<i64: 2, 16>, scalar_prefetch = 0 : i64, scratch_operands = 6 : i64, tpu.core_type = #tpu.core_type<sc_vector_subcore>, window_params = [{transform_indices = #map}, {transform_indices = #map}, {transform_indices = #map1}, {transform_indices = #map1}, {transform_indices = #map1}]} {
    %mul3A = arith.constant 2 : i32
    %mul3A_0 = arith.muli %arg1, %mul3A : i32
    %add3A = arith.addi %mul3A_0, %arg0 : i32
    %mul3A_1 = arith.constant 512 : i32
    %mul3A_2 = arith.muli %add3A, %mul3A_1 : i32
    "tpu.region"() ({
      %run_scoped3A = tpu.sem_alloc : memref<!tpu.dma_semaphore, #tpu.memory_space<semaphore_mem>>
      %dma_start3A_97 = tpu.memref_slice %arg2[%mul3A_2] : memref<16384xi32, #tpu.memory_space<hbm>> -> memref<512xi32, #tpu.memory_space<hbm>>
      %dma_start3A_98 = tpu.memref_slice %arg2[%mul3A_2] : memref<16384xi32, #tpu.memory_space<hbm>> -> memref<512xi32, #tpu.memory_space<hbm>>
      tpu.enqueue_dma source(%dma_start3A_98 : memref<512xi32, #tpu.memory_space<hbm>>) target(%arg7 : memref<512xi32, #tpu.memory_space<vmem>>) target_semaphore(%run_scoped3A : memref<!tpu.dma_semaphore, #tpu.memory_space<semaphore_mem>>)
      %dma_wait3A_99 = tpu.memref_slice %arg2[%mul3A_2] : memref<16384xi32, #tpu.memory_space<hbm>> -> memref<512xi32, #tpu.memory_space<hbm>>
      %dma_wait3A_100 = tpu.memref_slice %arg2[%mul3A_2] : memref<16384xi32, #tpu.memory_space<hbm>> -> memref<512xi32, #tpu.memory_space<hbm>>
      tpu.wait_dma2 semaphore(%run_scoped3A : memref<!tpu.dma_semaphore, #tpu.memory_space<semaphore_mem>>) src(%dma_wait3A_100 : memref<512xi32, #tpu.memory_space<hbm>>) dst(%arg7 : memref<512xi32, #tpu.memory_space<vmem>>)
      tpu.yield
    }) : () -> ()
    "tpu.region"() ({
      %run_scoped3A = tpu.sem_alloc : memref<!tpu.dma_semaphore, #tpu.memory_space<semaphore_mem>>
      %dma_start3A_97 = tpu.memref_slice %arg3[%mul3A_2] : memref<16384xi32, #tpu.memory_space<hbm>> -> memref<512xi32, #tpu.memory_space<hbm>>
      %dma_start3A_98 = tpu.memref_slice %arg3[%mul3A_2] : memref<16384xi32, #tpu.memory_space<hbm>> -> memref<512xi32, #tpu.memory_space<hbm>>
      tpu.enqueue_dma source(%dma_start3A_98 : memref<512xi32, #tpu.memory_space<hbm>>) target(%arg8 : memref<512xi32, #tpu.memory_space<vmem>>) target_semaphore(%run_scoped3A : memref<!tpu.dma_semaphore, #tpu.memory_space<semaphore_mem>>)
      %dma_wait3A_99 = tpu.memref_slice %arg3[%mul3A_2] : memref<16384xi32, #tpu.memory_space<hbm>> -> memref<512xi32, #tpu.memory_space<hbm>>
      %dma_wait3A_100 = tpu.memref_slice %arg3[%mul3A_2] : memref<16384xi32, #tpu.memory_space<hbm>> -> memref<512xi32, #tpu.memory_space<hbm>>
      tpu.wait_dma2 semaphore(%run_scoped3A : memref<!tpu.dma_semaphore, #tpu.memory_space<semaphore_mem>>) src(%dma_wait3A_100 : memref<512xi32, #tpu.memory_space<hbm>>) dst(%arg8 : memref<512xi32, #tpu.memory_space<vmem>>)
      tpu.yield
    }) : () -> ()
    %dma_start3A = arith.constant 0 : i32
    %dma_start3A_3 = tpu.memref_slice %arg7[%dma_start3A] : memref<512xi32, #tpu.memory_space<vmem>> -> memref<128xi32, #tpu.memory_space<vmem>>
    %dma_start3A_4 = arith.constant 0 : i32
    %dma_start3A_5 = arith.constant 0 : i32
    %dma_start3A_6 = tpu.memref_slice %arg4[%dma_start3A_4, %dma_start3A_5] : memref<100000x64xf32, #tpu.memory_space<hbm>> -> memref<100000x64xf32, #tpu.memory_space<hbm>>
    tpu.enqueue_indirect_dma source(%dma_start3A_6 : memref<100000x64xf32, #tpu.memory_space<hbm>>) target(%arg9 : memref<128x64xf32, #tpu.memory_space<vmem>>) offsets(%dma_start3A_3 : memref<128xi32, #tpu.memory_space<vmem>>) semaphore(%arg11 : memref<!tpu.dma_semaphore, #tpu.memory_space<semaphore_mem>>)
    %dma_start3A_7 = arith.constant 0 : i32
    %dma_start3A_8 = tpu.memref_slice %arg8[%dma_start3A_7] : memref<512xi32, #tpu.memory_space<vmem>> -> memref<128xi32, #tpu.memory_space<vmem>>
    %dma_start3A_9 = arith.constant 0 : i32
    %dma_start3A_10 = arith.constant 0 : i32
    %dma_start3A_11 = tpu.memref_slice %arg5[%dma_start3A_9, %dma_start3A_10] : memref<100000x64xf32, #tpu.memory_space<hbm>> -> memref<100000x64xf32, #tpu.memory_space<hbm>>
    tpu.enqueue_indirect_dma source(%dma_start3A_11 : memref<100000x64xf32, #tpu.memory_space<hbm>>) target(%arg10 : memref<128x64xf32, #tpu.memory_space<vmem>>) offsets(%dma_start3A_8 : memref<128xi32, #tpu.memory_space<vmem>>) semaphore(%arg12 : memref<!tpu.dma_semaphore, #tpu.memory_space<semaphore_mem>>)
    %dma_wait3A = arith.constant 0 : i32
    %dma_wait3A_12 = tpu.memref_slice %arg7[%dma_wait3A] : memref<512xi32, #tpu.memory_space<vmem>> -> memref<128xi32, #tpu.memory_space<vmem>>
    %dma_wait3A_13 = arith.constant 0 : i32
    %dma_wait3A_14 = arith.constant 0 : i32
    %dma_wait3A_15 = tpu.memref_slice %arg4[%dma_wait3A_13, %dma_wait3A_14] : memref<100000x64xf32, #tpu.memory_space<hbm>> -> memref<100000x64xf32, #tpu.memory_space<hbm>>
    tpu.wait_indirect_dma semaphore(%arg11 : memref<!tpu.dma_semaphore, #tpu.memory_space<semaphore_mem>>) src(%dma_wait3A_15 : memref<100000x64xf32, #tpu.memory_space<hbm>>) dst(%arg9 : memref<128x64xf32, #tpu.memory_space<vmem>>)
    %add3A_16 = arith.constant 0 : i32
    %add3A_17 = arith.addi %mul3A_2, %add3A_16 : i32
    "tpu.region"() ({
      %run_scoped3A = tpu.sem_alloc : memref<!tpu.dma_semaphore, #tpu.memory_space<semaphore_mem>>
      %dma_start3A_97 = arith.constant 0 : i32
      %dma_start3A_98 = tpu.memref_slice %arg6[%add3A_17, %dma_start3A_97] : memref<16384x128xf32, #tpu.memory_space<hbm>> -> memref<128x64xf32, #tpu.memory_space<hbm>>
      %dma_start3A_99 = arith.constant 0 : i32
      %dma_start3A_100 = tpu.memref_slice %arg6[%add3A_17, %dma_start3A_99] : memref<16384x128xf32, #tpu.memory_space<hbm>> -> memref<128x64xf32, #tpu.memory_space<hbm>>
      tpu.enqueue_dma source(%arg9 : memref<128x64xf32, #tpu.memory_space<vmem>>) target(%dma_start3A_100 : memref<128x64xf32, #tpu.memory_space<hbm>>) target_semaphore(%run_scoped3A : memref<!tpu.dma_semaphore, #tpu.memory_space<semaphore_mem>>)
      %dma_wait3A_101 = arith.constant 0 : i32
      %dma_wait3A_102 = tpu.memref_slice %arg6[%add3A_17, %dma_wait3A_101] : memref<16384x128xf32, #tpu.memory_space<hbm>> -> memref<128x64xf32, #tpu.memory_space<hbm>>
      %dma_wait3A_103 = arith.constant 0 : i32
      %dma_wait3A_104 = tpu.memref_slice %arg6[%add3A_17, %dma_wait3A_103] : memref<16384x128xf32, #tpu.memory_space<hbm>> -> memref<128x64xf32, #tpu.memory_space<hbm>>
      tpu.wait_dma2 semaphore(%run_scoped3A : memref<!tpu.dma_semaphore, #tpu.memory_space<semaphore_mem>>) src(%arg9 : memref<128x64xf32, #tpu.memory_space<vmem>>) dst(%dma_wait3A_104 : memref<128x64xf32, #tpu.memory_space<hbm>>)
      tpu.yield
    }) : () -> ()
    %dma_wait3A_18 = arith.constant 0 : i32
    %dma_wait3A_19 = tpu.memref_slice %arg8[%dma_wait3A_18] : memref<512xi32, #tpu.memory_space<vmem>> -> memref<128xi32, #tpu.memory_space<vmem>>
    %dma_wait3A_20 = arith.constant 0 : i32
    %dma_wait3A_21 = arith.constant 0 : i32
    %dma_wait3A_22 = tpu.memref_slice %arg5[%dma_wait3A_20, %dma_wait3A_21] : memref<100000x64xf32, #tpu.memory_space<hbm>> -> memref<100000x64xf32, #tpu.memory_space<hbm>>
    tpu.wait_indirect_dma semaphore(%arg12 : memref<!tpu.dma_semaphore, #tpu.memory_space<semaphore_mem>>) src(%dma_wait3A_22 : memref<100000x64xf32, #tpu.memory_space<hbm>>) dst(%arg10 : memref<128x64xf32, #tpu.memory_space<vmem>>)
    %add3A_23 = arith.constant 0 : i32
    %add3A_24 = arith.addi %mul3A_2, %add3A_23 : i32
    "tpu.region"() ({
      %run_scoped3A = tpu.sem_alloc : memref<!tpu.dma_semaphore, #tpu.memory_space<semaphore_mem>>
      %dma_start3A_97 = arith.constant 64 : i32
      %dma_start3A_98 = tpu.memref_slice %arg6[%add3A_24, %dma_start3A_97] : memref<16384x128xf32, #tpu.memory_space<hbm>> -> memref<128x64xf32, #tpu.memory_space<hbm>>
      %dma_start3A_99 = arith.constant 64 : i32
      %dma_start3A_100 = tpu.memref_slice %arg6[%add3A_24, %dma_start3A_99] : memref<16384x128xf32, #tpu.memory_space<hbm>> -> memref<128x64xf32, #tpu.memory_space<hbm>>
      tpu.enqueue_dma source(%arg10 : memref<128x64xf32, #tpu.memory_space<vmem>>) target(%dma_start3A_100 : memref<128x64xf32, #tpu.memory_space<hbm>>) target_semaphore(%run_scoped3A : memref<!tpu.dma_semaphore, #tpu.memory_space<semaphore_mem>>)
      %dma_wait3A_101 = arith.constant 64 : i32
      %dma_wait3A_102 = tpu.memref_slice %arg6[%add3A_24, %dma_wait3A_101] : memref<16384x128xf32, #tpu.memory_space<hbm>> -> memref<128x64xf32, #tpu.memory_space<hbm>>
      %dma_wait3A_103 = arith.constant 64 : i32
      %dma_wait3A_104 = tpu.memref_slice %arg6[%add3A_24, %dma_wait3A_103] : memref<16384x128xf32, #tpu.memory_space<hbm>> -> memref<128x64xf32, #tpu.memory_space<hbm>>
      tpu.wait_dma2 semaphore(%run_scoped3A : memref<!tpu.dma_semaphore, #tpu.memory_space<semaphore_mem>>) src(%arg10 : memref<128x64xf32, #tpu.memory_space<vmem>>) dst(%dma_wait3A_104 : memref<128x64xf32, #tpu.memory_space<hbm>>)
      tpu.yield
    }) : () -> ()
    %dma_start3A_25 = arith.constant 128 : i32
    %dma_start3A_26 = tpu.memref_slice %arg7[%dma_start3A_25] : memref<512xi32, #tpu.memory_space<vmem>> -> memref<128xi32, #tpu.memory_space<vmem>>
    %dma_start3A_27 = arith.constant 0 : i32
    %dma_start3A_28 = arith.constant 0 : i32
    %dma_start3A_29 = tpu.memref_slice %arg4[%dma_start3A_27, %dma_start3A_28] : memref<100000x64xf32, #tpu.memory_space<hbm>> -> memref<100000x64xf32, #tpu.memory_space<hbm>>
    tpu.enqueue_indirect_dma source(%dma_start3A_29 : memref<100000x64xf32, #tpu.memory_space<hbm>>) target(%arg9 : memref<128x64xf32, #tpu.memory_space<vmem>>) offsets(%dma_start3A_26 : memref<128xi32, #tpu.memory_space<vmem>>) semaphore(%arg11 : memref<!tpu.dma_semaphore, #tpu.memory_space<semaphore_mem>>)
    %dma_start3A_30 = arith.constant 128 : i32
    %dma_start3A_31 = tpu.memref_slice %arg8[%dma_start3A_30] : memref<512xi32, #tpu.memory_space<vmem>> -> memref<128xi32, #tpu.memory_space<vmem>>
    %dma_start3A_32 = arith.constant 0 : i32
    %dma_start3A_33 = arith.constant 0 : i32
    %dma_start3A_34 = tpu.memref_slice %arg5[%dma_start3A_32, %dma_start3A_33] : memref<100000x64xf32, #tpu.memory_space<hbm>> -> memref<100000x64xf32, #tpu.memory_space<hbm>>
    tpu.enqueue_indirect_dma source(%dma_start3A_34 : memref<100000x64xf32, #tpu.memory_space<hbm>>) target(%arg10 : memref<128x64xf32, #tpu.memory_space<vmem>>) offsets(%dma_start3A_31 : memref<128xi32, #tpu.memory_space<vmem>>) semaphore(%arg12 : memref<!tpu.dma_semaphore, #tpu.memory_space<semaphore_mem>>)
    %dma_wait3A_35 = arith.constant 128 : i32
    %dma_wait3A_36 = tpu.memref_slice %arg7[%dma_wait3A_35] : memref<512xi32, #tpu.memory_space<vmem>> -> memref<128xi32, #tpu.memory_space<vmem>>
    %dma_wait3A_37 = arith.constant 0 : i32
    %dma_wait3A_38 = arith.constant 0 : i32
    %dma_wait3A_39 = tpu.memref_slice %arg4[%dma_wait3A_37, %dma_wait3A_38] : memref<100000x64xf32, #tpu.memory_space<hbm>> -> memref<100000x64xf32, #tpu.memory_space<hbm>>
    tpu.wait_indirect_dma semaphore(%arg11 : memref<!tpu.dma_semaphore, #tpu.memory_space<semaphore_mem>>) src(%dma_wait3A_39 : memref<100000x64xf32, #tpu.memory_space<hbm>>) dst(%arg9 : memref<128x64xf32, #tpu.memory_space<vmem>>)
    %add3A_40 = arith.constant 128 : i32
    %add3A_41 = arith.addi %mul3A_2, %add3A_40 : i32
    "tpu.region"() ({
      %run_scoped3A = tpu.sem_alloc : memref<!tpu.dma_semaphore, #tpu.memory_space<semaphore_mem>>
      %dma_start3A_97 = arith.constant 0 : i32
      %dma_start3A_98 = tpu.memref_slice %arg6[%add3A_41, %dma_start3A_97] : memref<16384x128xf32, #tpu.memory_space<hbm>> -> memref<128x64xf32, #tpu.memory_space<hbm>>
      %dma_start3A_99 = arith.constant 0 : i32
      %dma_start3A_100 = tpu.memref_slice %arg6[%add3A_41, %dma_start3A_99] : memref<16384x128xf32, #tpu.memory_space<hbm>> -> memref<128x64xf32, #tpu.memory_space<hbm>>
      tpu.enqueue_dma source(%arg9 : memref<128x64xf32, #tpu.memory_space<vmem>>) target(%dma_start3A_100 : memref<128x64xf32, #tpu.memory_space<hbm>>) target_semaphore(%run_scoped3A : memref<!tpu.dma_semaphore, #tpu.memory_space<semaphore_mem>>)
      %dma_wait3A_101 = arith.constant 0 : i32
      %dma_wait3A_102 = tpu.memref_slice %arg6[%add3A_41, %dma_wait3A_101] : memref<16384x128xf32, #tpu.memory_space<hbm>> -> memref<128x64xf32, #tpu.memory_space<hbm>>
      %dma_wait3A_103 = arith.constant 0 : i32
      %dma_wait3A_104 = tpu.memref_slice %arg6[%add3A_41, %dma_wait3A_103] : memref<16384x128xf32, #tpu.memory_space<hbm>> -> memref<128x64xf32, #tpu.memory_space<hbm>>
      tpu.wait_dma2 semaphore(%run_scoped3A : memref<!tpu.dma_semaphore, #tpu.memory_space<semaphore_mem>>) src(%arg9 : memref<128x64xf32, #tpu.memory_space<vmem>>) dst(%dma_wait3A_104 : memref<128x64xf32, #tpu.memory_space<hbm>>)
      tpu.yield
    }) : () -> ()
    %dma_wait3A_42 = arith.constant 128 : i32
    %dma_wait3A_43 = tpu.memref_slice %arg8[%dma_wait3A_42] : memref<512xi32, #tpu.memory_space<vmem>> -> memref<128xi32, #tpu.memory_space<vmem>>
    %dma_wait3A_44 = arith.constant 0 : i32
    %dma_wait3A_45 = arith.constant 0 : i32
    %dma_wait3A_46 = tpu.memref_slice %arg5[%dma_wait3A_44, %dma_wait3A_45] : memref<100000x64xf32, #tpu.memory_space<hbm>> -> memref<100000x64xf32, #tpu.memory_space<hbm>>
    tpu.wait_indirect_dma semaphore(%arg12 : memref<!tpu.dma_semaphore, #tpu.memory_space<semaphore_mem>>) src(%dma_wait3A_46 : memref<100000x64xf32, #tpu.memory_space<hbm>>) dst(%arg10 : memref<128x64xf32, #tpu.memory_space<vmem>>)
    %add3A_47 = arith.constant 128 : i32
    %add3A_48 = arith.addi %mul3A_2, %add3A_47 : i32
    "tpu.region"() ({
      %run_scoped3A = tpu.sem_alloc : memref<!tpu.dma_semaphore, #tpu.memory_space<semaphore_mem>>
      %dma_start3A_97 = arith.constant 64 : i32
      %dma_start3A_98 = tpu.memref_slice %arg6[%add3A_48, %dma_start3A_97] : memref<16384x128xf32, #tpu.memory_space<hbm>> -> memref<128x64xf32, #tpu.memory_space<hbm>>
      %dma_start3A_99 = arith.constant 64 : i32
      %dma_start3A_100 = tpu.memref_slice %arg6[%add3A_48, %dma_start3A_99] : memref<16384x128xf32, #tpu.memory_space<hbm>> -> memref<128x64xf32, #tpu.memory_space<hbm>>
      tpu.enqueue_dma source(%arg10 : memref<128x64xf32, #tpu.memory_space<vmem>>) target(%dma_start3A_100 : memref<128x64xf32, #tpu.memory_space<hbm>>) target_semaphore(%run_scoped3A : memref<!tpu.dma_semaphore, #tpu.memory_space<semaphore_mem>>)
      %dma_wait3A_101 = arith.constant 64 : i32
      %dma_wait3A_102 = tpu.memref_slice %arg6[%add3A_48, %dma_wait3A_101] : memref<16384x128xf32, #tpu.memory_space<hbm>> -> memref<128x64xf32, #tpu.memory_space<hbm>>
      %dma_wait3A_103 = arith.constant 64 : i32
      %dma_wait3A_104 = tpu.memref_slice %arg6[%add3A_48, %dma_wait3A_103] : memref<16384x128xf32, #tpu.memory_space<hbm>> -> memref<128x64xf32, #tpu.memory_space<hbm>>
      tpu.wait_dma2 semaphore(%run_scoped3A : memref<!tpu.dma_semaphore, #tpu.memory_space<semaphore_mem>>) src(%arg10 : memref<128x64xf32, #tpu.memory_space<vmem>>) dst(%dma_wait3A_104 : memref<128x64xf32, #tpu.memory_space<hbm>>)
      tpu.yield
    }) : () -> ()
    %dma_start3A_49 = arith.constant 256 : i32
    %dma_start3A_50 = tpu.memref_slice %arg7[%dma_start3A_49] : memref<512xi32, #tpu.memory_space<vmem>> -> memref<128xi32, #tpu.memory_space<vmem>>
    %dma_start3A_51 = arith.constant 0 : i32
    %dma_start3A_52 = arith.constant 0 : i32
    %dma_start3A_53 = tpu.memref_slice %arg4[%dma_start3A_51, %dma_start3A_52] : memref<100000x64xf32, #tpu.memory_space<hbm>> -> memref<100000x64xf32, #tpu.memory_space<hbm>>
    tpu.enqueue_indirect_dma source(%dma_start3A_53 : memref<100000x64xf32, #tpu.memory_space<hbm>>) target(%arg9 : memref<128x64xf32, #tpu.memory_space<vmem>>) offsets(%dma_start3A_50 : memref<128xi32, #tpu.memory_space<vmem>>) semaphore(%arg11 : memref<!tpu.dma_semaphore, #tpu.memory_space<semaphore_mem>>)
    %dma_start3A_54 = arith.constant 256 : i32
    %dma_start3A_55 = tpu.memref_slice %arg8[%dma_start3A_54] : memref<512xi32, #tpu.memory_space<vmem>> -> memref<128xi32, #tpu.memory_space<vmem>>
    %dma_start3A_56 = arith.constant 0 : i32
    %dma_start3A_57 = arith.constant 0 : i32
    %dma_start3A_58 = tpu.memref_slice %arg5[%dma_start3A_56, %dma_start3A_57] : memref<100000x64xf32, #tpu.memory_space<hbm>> -> memref<100000x64xf32, #tpu.memory_space<hbm>>
    tpu.enqueue_indirect_dma source(%dma_start3A_58 : memref<100000x64xf32, #tpu.memory_space<hbm>>) target(%arg10 : memref<128x64xf32, #tpu.memory_space<vmem>>) offsets(%dma_start3A_55 : memref<128xi32, #tpu.memory_space<vmem>>) semaphore(%arg12 : memref<!tpu.dma_semaphore, #tpu.memory_space<semaphore_mem>>)
    %dma_wait3A_59 = arith.constant 256 : i32
    %dma_wait3A_60 = tpu.memref_slice %arg7[%dma_wait3A_59] : memref<512xi32, #tpu.memory_space<vmem>> -> memref<128xi32, #tpu.memory_space<vmem>>
    %dma_wait3A_61 = arith.constant 0 : i32
    %dma_wait3A_62 = arith.constant 0 : i32
    %dma_wait3A_63 = tpu.memref_slice %arg4[%dma_wait3A_61, %dma_wait3A_62] : memref<100000x64xf32, #tpu.memory_space<hbm>> -> memref<100000x64xf32, #tpu.memory_space<hbm>>
    tpu.wait_indirect_dma semaphore(%arg11 : memref<!tpu.dma_semaphore, #tpu.memory_space<semaphore_mem>>) src(%dma_wait3A_63 : memref<100000x64xf32, #tpu.memory_space<hbm>>) dst(%arg9 : memref<128x64xf32, #tpu.memory_space<vmem>>)
    %add3A_64 = arith.constant 256 : i32
    %add3A_65 = arith.addi %mul3A_2, %add3A_64 : i32
    "tpu.region"() ({
      %run_scoped3A = tpu.sem_alloc : memref<!tpu.dma_semaphore, #tpu.memory_space<semaphore_mem>>
      %dma_start3A_97 = arith.constant 0 : i32
      %dma_start3A_98 = tpu.memref_slice %arg6[%add3A_65, %dma_start3A_97] : memref<16384x128xf32, #tpu.memory_space<hbm>> -> memref<128x64xf32, #tpu.memory_space<hbm>>
      %dma_start3A_99 = arith.constant 0 : i32
      %dma_start3A_100 = tpu.memref_slice %arg6[%add3A_65, %dma_start3A_99] : memref<16384x128xf32, #tpu.memory_space<hbm>> -> memref<128x64xf32, #tpu.memory_space<hbm>>
      tpu.enqueue_dma source(%arg9 : memref<128x64xf32, #tpu.memory_space<vmem>>) target(%dma_start3A_100 : memref<128x64xf32, #tpu.memory_space<hbm>>) target_semaphore(%run_scoped3A : memref<!tpu.dma_semaphore, #tpu.memory_space<semaphore_mem>>)
      %dma_wait3A_101 = arith.constant 0 : i32
      %dma_wait3A_102 = tpu.memref_slice %arg6[%add3A_65, %dma_wait3A_101] : memref<16384x128xf32, #tpu.memory_space<hbm>> -> memref<128x64xf32, #tpu.memory_space<hbm>>
      %dma_wait3A_103 = arith.constant 0 : i32
      %dma_wait3A_104 = tpu.memref_slice %arg6[%add3A_65, %dma_wait3A_103] : memref<16384x128xf32, #tpu.memory_space<hbm>> -> memref<128x64xf32, #tpu.memory_space<hbm>>
      tpu.wait_dma2 semaphore(%run_scoped3A : memref<!tpu.dma_semaphore, #tpu.memory_space<semaphore_mem>>) src(%arg9 : memref<128x64xf32, #tpu.memory_space<vmem>>) dst(%dma_wait3A_104 : memref<128x64xf32, #tpu.memory_space<hbm>>)
      tpu.yield
    }) : () -> ()
    %dma_wait3A_66 = arith.constant 256 : i32
    %dma_wait3A_67 = tpu.memref_slice %arg8[%dma_wait3A_66] : memref<512xi32, #tpu.memory_space<vmem>> -> memref<128xi32, #tpu.memory_space<vmem>>
    %dma_wait3A_68 = arith.constant 0 : i32
    %dma_wait3A_69 = arith.constant 0 : i32
    %dma_wait3A_70 = tpu.memref_slice %arg5[%dma_wait3A_68, %dma_wait3A_69] : memref<100000x64xf32, #tpu.memory_space<hbm>> -> memref<100000x64xf32, #tpu.memory_space<hbm>>
    tpu.wait_indirect_dma semaphore(%arg12 : memref<!tpu.dma_semaphore, #tpu.memory_space<semaphore_mem>>) src(%dma_wait3A_70 : memref<100000x64xf32, #tpu.memory_space<hbm>>) dst(%arg10 : memref<128x64xf32, #tpu.memory_space<vmem>>)
    %add3A_71 = arith.constant 256 : i32
    %add3A_72 = arith.addi %mul3A_2, %add3A_71 : i32
    "tpu.region"() ({
      %run_scoped3A = tpu.sem_alloc : memref<!tpu.dma_semaphore, #tpu.memory_space<semaphore_mem>>
      %dma_start3A_97 = arith.constant 64 : i32
      %dma_start3A_98 = tpu.memref_slice %arg6[%add3A_72, %dma_start3A_97] : memref<16384x128xf32, #tpu.memory_space<hbm>> -> memref<128x64xf32, #tpu.memory_space<hbm>>
      %dma_start3A_99 = arith.constant 64 : i32
      %dma_start3A_100 = tpu.memref_slice %arg6[%add3A_72, %dma_start3A_99] : memref<16384x128xf32, #tpu.memory_space<hbm>> -> memref<128x64xf32, #tpu.memory_space<hbm>>
      tpu.enqueue_dma source(%arg10 : memref<128x64xf32, #tpu.memory_space<vmem>>) target(%dma_start3A_100 : memref<128x64xf32, #tpu.memory_space<hbm>>) target_semaphore(%run_scoped3A : memref<!tpu.dma_semaphore, #tpu.memory_space<semaphore_mem>>)
      %dma_wait3A_101 = arith.constant 64 : i32
      %dma_wait3A_102 = tpu.memref_slice %arg6[%add3A_72, %dma_wait3A_101] : memref<16384x128xf32, #tpu.memory_space<hbm>> -> memref<128x64xf32, #tpu.memory_space<hbm>>
      %dma_wait3A_103 = arith.constant 64 : i32
      %dma_wait3A_104 = tpu.memref_slice %arg6[%add3A_72, %dma_wait3A_103] : memref<16384x128xf32, #tpu.memory_space<hbm>> -> memref<128x64xf32, #tpu.memory_space<hbm>>
      tpu.wait_dma2 semaphore(%run_scoped3A : memref<!tpu.dma_semaphore, #tpu.memory_space<semaphore_mem>>) src(%arg10 : memref<128x64xf32, #tpu.memory_space<vmem>>) dst(%dma_wait3A_104 : memref<128x64xf32, #tpu.memory_space<hbm>>)
      tpu.yield
    }) : () -> ()
    %dma_start3A_73 = arith.constant 384 : i32
    %dma_start3A_74 = tpu.memref_slice %arg7[%dma_start3A_73] : memref<512xi32, #tpu.memory_space<vmem>> -> memref<128xi32, #tpu.memory_space<vmem>>
    %dma_start3A_75 = arith.constant 0 : i32
    %dma_start3A_76 = arith.constant 0 : i32
    %dma_start3A_77 = tpu.memref_slice %arg4[%dma_start3A_75, %dma_start3A_76] : memref<100000x64xf32, #tpu.memory_space<hbm>> -> memref<100000x64xf32, #tpu.memory_space<hbm>>
    tpu.enqueue_indirect_dma source(%dma_start3A_77 : memref<100000x64xf32, #tpu.memory_space<hbm>>) target(%arg9 : memref<128x64xf32, #tpu.memory_space<vmem>>) offsets(%dma_start3A_74 : memref<128xi32, #tpu.memory_space<vmem>>) semaphore(%arg11 : memref<!tpu.dma_semaphore, #tpu.memory_space<semaphore_mem>>)
    %dma_start3A_78 = arith.constant 384 : i32
    %dma_start3A_79 = tpu.memref_slice %arg8[%dma_start3A_78] : memref<512xi32, #tpu.memory_space<vmem>> -> memref<128xi32, #tpu.memory_space<vmem>>
    %dma_start3A_80 = arith.constant 0 : i32
    %dma_start3A_81 = arith.constant 0 : i32
    %dma_start3A_82 = tpu.memref_slice %arg5[%dma_start3A_80, %dma_start3A_81] : memref<100000x64xf32, #tpu.memory_space<hbm>> -> memref<100000x64xf32, #tpu.memory_space<hbm>>
    tpu.enqueue_indirect_dma source(%dma_start3A_82 : memref<100000x64xf32, #tpu.memory_space<hbm>>) target(%arg10 : memref<128x64xf32, #tpu.memory_space<vmem>>) offsets(%dma_start3A_79 : memref<128xi32, #tpu.memory_space<vmem>>) semaphore(%arg12 : memref<!tpu.dma_semaphore, #tpu.memory_space<semaphore_mem>>)
    %dma_wait3A_83 = arith.constant 384 : i32
    %dma_wait3A_84 = tpu.memref_slice %arg7[%dma_wait3A_83] : memref<512xi32, #tpu.memory_space<vmem>> -> memref<128xi32, #tpu.memory_space<vmem>>
    %dma_wait3A_85 = arith.constant 0 : i32
    %dma_wait3A_86 = arith.constant 0 : i32
    %dma_wait3A_87 = tpu.memref_slice %arg4[%dma_wait3A_85, %dma_wait3A_86] : memref<100000x64xf32, #tpu.memory_space<hbm>> -> memref<100000x64xf32, #tpu.memory_space<hbm>>
    tpu.wait_indirect_dma semaphore(%arg11 : memref<!tpu.dma_semaphore, #tpu.memory_space<semaphore_mem>>) src(%dma_wait3A_87 : memref<100000x64xf32, #tpu.memory_space<hbm>>) dst(%arg9 : memref<128x64xf32, #tpu.memory_space<vmem>>)
    %add3A_88 = arith.constant 384 : i32
    %add3A_89 = arith.addi %mul3A_2, %add3A_88 : i32
    "tpu.region"() ({
      %run_scoped3A = tpu.sem_alloc : memref<!tpu.dma_semaphore, #tpu.memory_space<semaphore_mem>>
      %dma_start3A_97 = arith.constant 0 : i32
      %dma_start3A_98 = tpu.memref_slice %arg6[%add3A_89, %dma_start3A_97] : memref<16384x128xf32, #tpu.memory_space<hbm>> -> memref<128x64xf32, #tpu.memory_space<hbm>>
      %dma_start3A_99 = arith.constant 0 : i32
      %dma_start3A_100 = tpu.memref_slice %arg6[%add3A_89, %dma_start3A_99] : memref<16384x128xf32, #tpu.memory_space<hbm>> -> memref<128x64xf32, #tpu.memory_space<hbm>>
      tpu.enqueue_dma source(%arg9 : memref<128x64xf32, #tpu.memory_space<vmem>>) target(%dma_start3A_100 : memref<128x64xf32, #tpu.memory_space<hbm>>) target_semaphore(%run_scoped3A : memref<!tpu.dma_semaphore, #tpu.memory_space<semaphore_mem>>)
      %dma_wait3A_101 = arith.constant 0 : i32
      %dma_wait3A_102 = tpu.memref_slice %arg6[%add3A_89, %dma_wait3A_101] : memref<16384x128xf32, #tpu.memory_space<hbm>> -> memref<128x64xf32, #tpu.memory_space<hbm>>
      %dma_wait3A_103 = arith.constant 0 : i32
      %dma_wait3A_104 = tpu.memref_slice %arg6[%add3A_89, %dma_wait3A_103] : memref<16384x128xf32, #tpu.memory_space<hbm>> -> memref<128x64xf32, #tpu.memory_space<hbm>>
      tpu.wait_dma2 semaphore(%run_scoped3A : memref<!tpu.dma_semaphore, #tpu.memory_space<semaphore_mem>>) src(%arg9 : memref<128x64xf32, #tpu.memory_space<vmem>>) dst(%dma_wait3A_104 : memref<128x64xf32, #tpu.memory_space<hbm>>)
      tpu.yield
    }) : () -> ()
    %dma_wait3A_90 = arith.constant 384 : i32
    %dma_wait3A_91 = tpu.memref_slice %arg8[%dma_wait3A_90] : memref<512xi32, #tpu.memory_space<vmem>> -> memref<128xi32, #tpu.memory_space<vmem>>
    %dma_wait3A_92 = arith.constant 0 : i32
    %dma_wait3A_93 = arith.constant 0 : i32
    %dma_wait3A_94 = tpu.memref_slice %arg5[%dma_wait3A_92, %dma_wait3A_93] : memref<100000x64xf32, #tpu.memory_space<hbm>> -> memref<100000x64xf32, #tpu.memory_space<hbm>>
    tpu.wait_indirect_dma semaphore(%arg12 : memref<!tpu.dma_semaphore, #tpu.memory_space<semaphore_mem>>) src(%dma_wait3A_94 : memref<100000x64xf32, #tpu.memory_space<hbm>>) dst(%arg10 : memref<128x64xf32, #tpu.memory_space<vmem>>)
    %add3A_95 = arith.constant 384 : i32
    %add3A_96 = arith.addi %mul3A_2, %add3A_95 : i32
    "tpu.region"() ({
      %run_scoped3A = tpu.sem_alloc : memref<!tpu.dma_semaphore, #tpu.memory_space<semaphore_mem>>
      %dma_start3A_97 = arith.constant 64 : i32
      %dma_start3A_98 = tpu.memref_slice %arg6[%add3A_96, %dma_start3A_97] : memref<16384x128xf32, #tpu.memory_space<hbm>> -> memref<128x64xf32, #tpu.memory_space<hbm>>
      %dma_start3A_99 = arith.constant 64 : i32
      %dma_start3A_100 = tpu.memref_slice %arg6[%add3A_96, %dma_start3A_99] : memref<16384x128xf32, #tpu.memory_space<hbm>> -> memref<128x64xf32, #tpu.memory_space<hbm>>
      tpu.enqueue_dma source(%arg10 : memref<128x64xf32, #tpu.memory_space<vmem>>) target(%dma_start3A_100 : memref<128x64xf32, #tpu.memory_space<hbm>>) target_semaphore(%run_scoped3A : memref<!tpu.dma_semaphore, #tpu.memory_space<semaphore_mem>>)
      %dma_wait3A_101 = arith.constant 64 : i32
      %dma_wait3A_102 = tpu.memref_slice %arg6[%add3A_96, %dma_wait3A_101] : memref<16384x128xf32, #tpu.memory_space<hbm>> -> memref<128x64xf32, #tpu.memory_space<hbm>>
      %dma_wait3A_103 = arith.constant 64 : i32
      %dma_wait3A_104 = tpu.memref_slice %arg6[%add3A_96, %dma_wait3A_103] : memref<16384x128xf32, #tpu.memory_space<hbm>> -> memref<128x64xf32, #tpu.memory_space<hbm>>
      tpu.wait_dma2 semaphore(%run_scoped3A : memref<!tpu.dma_semaphore, #tpu.memory_space<semaphore_mem>>) src(%arg10 : memref<128x64xf32, #tpu.memory_space<vmem>>) dst(%dma_wait3A_104 : memref<128x64xf32, #tpu.memory_space<hbm>>)
      tpu.yield
    }) : () -> ()
    return
  }
}

</mosaic_0001>

<sc_bundles>
// kernel: kernel.3.cloned.1.call-start
scs
__scs_entry_jumppad:
0x0: {  	(pc) =	sbr.rel $0x88, $3  }
0x1: {  	(tag) =	ssettag $0x0;
	lr =	simm.s32 $0x1  }
0x2: {  	[smem:$0x3F9D] =	sst lr;
	_ =	strace $0xD0000000  }
0x3: {  	_ = 	snop  }
0x4: {  	_ = 	snop  }
0x5: {  	_ = 	snop  }
0x6: {  	_ = 	snop  }
0x7: {  	_ = 	snop  }
__scs_overlays_trampoline_lowered:
0x8: {  	[smem:$0x3FAC] =	sst s0  }
0x9: {  	[smem:$0x3FAD] =	sst s1  }
0xa: {  	[smem:$0x3FAE] =	sst s2  }
0xb: {  	[smem:$0x3FAF] =	sst s3  }
0xc: {  	[smem:$0x3FB0] =	sst s4  }
0xd: {  	[smem:$0x3FB1] =	sst s5  }
0xe: {  	[smem:$0x3FB2] =	sst s6  }
0xf: {  	[smem:$0x3FB3] =	sst s7  }
0x10: {  	[smem:$0x3FB4] =	sst s8  }
0x11: {  	[smem:$0x3FB5] =	sst s9;
	s0 =	simm.s32 @!p0 $0x0  }
0x12: {  	s1 =	sld [smem:$0x3F9B];
	s0 =	simm.s32 @p0 $0x1  }
0x13: {  	[smem:$0x3FB6] =	sst s0;
	s0 =	simm.s32 @!p1 $0x0  }
0x14: {  	s2 =	sld [smem:$0x3F9A];
	s0 =	simm.s32 @p1 $0x1  }
0x15: {  	[smem:$0x3FB7] =	sst s0;
	s0 =	simm.s32 @!p2 $0x0  }
0x16: {  	s3 =	sld [smem:$0x3FDB];
	s0 =	simm.s32 @p2 $0x1  }
0x17: {  	s4 =	simm.s32 $0x1BF5;
	[smem:$0x3FB9] =	sst s0  }
0x18: {  	s0 =	sld [smem:$0x3F9C];
	_ =	swait.ge [sflag:s4], $0x0  }
0x19: {  	s7 =	sld [smem:$0x3F9D]  }
0x1a: {  	s8 =	sadd.s32 $0xFFFFE003, lr  }
0x1b: {  	s9 =	sadd.s32 $0xFFFFFEF7, lr;
	s5 =	simm.s32 $0xFFFFFFFF;
	p2 =	slt.u32 s8, $0xFFFFF086  }
0x1c: {  	p1 =	slt.u32 s9, $0xF7A;
	s5 =	simm.s32 @!p2 $0x0  }
0x1d: {  	s5 =	simm.s32 @p1 $0x1;
	p0 =	seq.s32 s7, s2  }
0x1e: {  	s7 =	smul.u32 @!p0 $0xF7A, s2;
	p2 =	seq.s32 @!p0 s5, $0x0  }
0x1f: {  	s9 =	smul.u32 $0xF7A, s1;
	s8 =	simm.s32 @!p0 $0x1BF5;
	p2 =	por !p2, p0  }
0x20: {  	[sflag:s8] =	ssyncset.s32 @!p0 $0xFFFFF086;
	s6 =	sadd.s32 @!p0 s3, s7;
	s7 =	simm.s32 @!p0 $0x108  }
0x21: {  	s3 =	sadd.s32 s3, s9;
	s6 =	sadd.s32 @!p0 $0x88, s6;
	s7 =	simm.s32 @p2 $0x1082  }
0x22: {  	[simem:s7], [sflag:s8] =	dma.local @!p0 [hbm:s6], $0xF7A  }
0x23: {  	s9 =	sor.u32 $0xD0000000, s2;
	s6 =	simm.s32 $0x108;
	_ =	swait.ge @!p0 [sflag:s8], $0x0  }
0x24: {  	s3 =	sadd.s32 $0x88, s3;
	s6 =	simm.s32 @!p1 $0x1082;
	[sflag:s4] =	ssyncset.s32 $0xFFFFF086  }
0x25: {  	[simem:s6], [sflag:s4] =	dma.local [hbm:s3], $0xF7A  }
0x26: {  	[smem:$0x3F9D] =	sst s1;
	(tag) =	ssettag s2;
	_ =	strace s9  }
0x27: {  	s1 =	sld [smem:$0x3FAD]  }
0x28: {  	s2 =	sld [smem:$0x3FAE]  }
0x29: {  	s4 =	sld [smem:$0x3FB0]  }
0x2a: {  	p0 =	seq.s32 s5, $0x0;
	s5 =	sld [smem:$0x3FB1]  }
0x2b: {  	s6 =	sld [smem:$0x3FB2]  }
0x2c: {  	s7 =	sld [smem:$0x3FB3]  }
0x2d: {  	s3 =	simm.s32 $0x108;
	s8 =	sld [smem:$0x3FB4]  }
0x2e: {  	s3 =	simm.s32 @!p0 $0x1082;
	s9 =	sld [smem:$0x3FB5]  }
0x2f: {  	lr =	sadd.s32 s0, s3;
	s0 =	sld [smem:$0x3FAC]  }
0x30: {  	s3 =	sld [smem:$0x3FAF]  }
0x31: {  	[smem:$0x3FB8] =	sst s10  }
0x32: {  	s10 =	sld [smem:$0x3FB6];
	_ =	sdelay $0x3  }
0x33: {  	p0 =	seq.s32 s10, $0x1;
	s10 =	sld [smem:$0x3FB8];
	_ =	sdelay $0x3  }
0x34: {  	[smem:$0x3FB8] =	sst s10  }
0x35: {  	s10 =	sld [smem:$0x3FB7];
	_ =	sdelay $0x3  }
0x36: {  	p1 =	seq.s32 s10, $0x1;
	s10 =	sld [smem:$0x3FB8];
	_ =	sdelay $0x3  }
0x37: {  	[smem:$0x3FB8] =	sst s10  }
0x38: {  	s10 =	sld [smem:$0x3FB9]  }
0x39: {  	_ = 	snop;
	(pc) =	sbr.ind lr, $3  }
0x3a: {  	_ = 	snop  }
0x3b: {  	_ = 	snop  }
0x3c: {  	p2 =	seq.s32 s10, $0x1;
	s10 =	sld [smem:$0x3FB8]  }
0x3d: {  	_ =	shalt  }
0x3e: {  	_ =	shalt  }
0x3f: {  	_ =	shalt  }
0x40: {  	_ =	shalt  }
0x41: {  	_ =	shalt  }
0x42: {  	_ =	shalt  }
0x43: {  	_ =	shalt  }
0x44: {  	_ =	shalt  }
0x45: {  	_ =	shalt  }
0x46: {  	_ =	shalt  }
0x47: {  	_ =	shalt  }
0x48: {  	_ =	shalt  }
0x49: {  	_ =	shalt  }
0x4a: {  	_ =	shalt  }
0x4b: {  	_ =	shalt  }
0x4c: {  	_ =	shalt  }
0x4d: {  	_ =	shalt  }
0x4e: {  	_ =	shalt  }
0x4f: {  	_ =	shalt  }
0x50: {  	_ =	shalt  }
0x51: {  	_ =	shalt  }
0x52: {  	_ =	shalt  }
0x53: {  	_ =	shalt  }
0x54: {  	_ =	shalt  }
0x55: {  	_ =	shalt  }
0x56: {  	_ =	shalt  }
0x57: {  	_ =	shalt  }
0x58: {  	_ =	shalt  }
0x59: {  	_ =	shalt  }
0x5a: {  	_ =	shalt  }
0x5b: {  	_ =	shalt  }
0x5c: {  	_ =	shalt  }
0x5d: {  	_ =	shalt  }
0x5e: {  	_ =	shalt  }
0x5f: {  	_ =	shalt  }
0x60: {  	_ =	shalt  }
0x61: {  	_ =	shalt  }
0x62: {  	_ =	shalt  }
0x63: {  	_ =	shalt  }
0x64: {  	_ =	shalt  }
0x65: {  	_ =	shalt  }
0x66: {  	_ =	shalt  }
0x67: {  	_ =	shalt  }
0x68: {  	_ =	shalt  }
0x69: {  	_ =	shalt  }
0x6a: {  	_ =	shalt  }
0x6b: {  	_ =	shalt  }
0x6c: {  	_ =	shalt  }
0x6d: {  	_ =	shalt  }
0x6e: {  	_ =	shalt  }
0x6f: {  	_ =	shalt  }
0x70: {  	_ =	shalt  }
0x71: {  	_ =	shalt  }
0x72: {  	_ =	shalt  }
0x73: {  	_ =	shalt  }
0x74: {  	_ =	shalt  }
0x75: {  	_ =	shalt  }
0x76: {  	_ =	shalt  }
0x77: {  	_ =	shalt  }
0x78: {  	_ =	shalt  }
0x79: {  	_ =	shalt  }
0x7a: {  	_ =	shalt  }
0x7b: {  	_ =	shalt  }
0x7c: {  	_ =	shalt  }
0x7d: {  	_ =	shalt  }
0x7e: {  	_ =	shalt  }
0x7f: {  	_ =	shalt  }
0x80: {  	_ =	shalt  }
0x81: {  	_ =	shalt  }
0x82: {  	_ =	shalt  }
0x83: {  	_ =	shalt  }
0x84: {  	_ =	shalt  }
0x85: {  	_ =	shalt  }
0x86: {  	_ =	shalt  }
0x87: {  	_ =	shalt  }
.Lfunc_end0:
.L_simem_size_0:
called_computation_lowered:
.L_overlay_start_0:
0x88: {  	s2 =	sld [smem:$0x3FD9]  }
0x89: {  	s3 =	sld [smem:$0x3FFE];
	_ =	sdelay $0x1  }
0x8a: {  	s1 =	srdreg.scid  }
0x8b: {  	s0 =	sand.u32 $0x1, s1  }
0x8c: {  	s17 =	sshll.u32 s0, $0xA;
	s2 =	sadd.s32 s3, s2  }
0x8d: {  	s2 =	sadd.s32 s2, s17  }
0x8e: {  	[smem:$0x3FC4] =	sst s2  }
0x8f: {  	_ = 	snop  }
0x90: {  	s2 =	sld [smem:$0x3FC9]  }
0x91: {  	s18 =	sld [smem:$0x3FC8]  }
0x92: {  	s4 =	sld [smem:$0x3FD0];
	(tm) =	ssettm $0x1  }
0x93: {  	s5 =	sld [smem:$0x3FFB];
	_ =	sdelay $0x3  }
0x94: {  	_ =	strace s5  }
0x95: {  	s5 =	sld [smem:$0x3FFC];
	_ =	sdelay $0x3  }
0x96: {  	_ =	strace s5  }
0x97: {  	s5 =	sld [smem:$0x3FFD];
	_ =	sdelay $0x3  }
0x98: {  	_ =	strace s5  }
0x99: {  	_ =	strace $0x8FFFFFFF  }
0x9a: {  	s19 =	sld [smem:$0x3FDB];
	_ =	sdelay $0x1  }
0x9b: {  	s6 =	simm.s32 $_scs_section_size  }
0x9c: {  	s7 =	simm.s32 $_size__tile_overlayer_lowered;
	s8 =	simm.s32 $_tile_overlayer_lowered  }
0x9d: {  	s22 =	simm.s32 $0x1BFF;
	s21 =	sshll.u32 s8, $0x1;
	s5 =	sadd.s32 s6, s19  }
0x9e: {  	s9 =	simm.s32 $0x0;
	s20 =	sshll.u32 s7, $0x1;
	s7 =	sadd.s32 s21, s5  }
0x9f: {  	[timem:s9], [sflag:s22] =	dma.local [hbm:s7], s20  }
0xa0: {  	_ =	swait.ge [sflag:s22], s20  }
0xa1: {  	s6 =	ssub.s32 $0x0, s20;
	[sflag:s22] =	ssyncset.done $0x0  }
0xa2: {  	[sflag:s22] =	ssyncadd.s32 s6;
	_ =	sdelay $0x1  }
0xa3: {  	s23 =	simm.s32 $0x1B8B  }
0xa4: {  	_ =	swait.ge [sflag:s23], $0x1  }
0xa5: {  	[sflag:s23] =	ssyncset.done $0x0  }
0xa6: {  	s25 =	simm.s32 $0x1B8E;
	s24 =	sld [smem:$0x3FFE];
	[sflag:s23] =	ssyncadd.s32 $0xFFFFFFFF  }
0xa7: {  	s26 =	simm.s32 $execute0_lowered;
	[smem:$0x3FD2] =	sst s25  }
0xa8: {  	s7 =	sshll.u32 s26, $0x1;
	_ =	strace $0x80000046;
	[dreg:$0x1] =	wrdreg $0xFFFFFFFF  }
0xa9: {  	s28 =	simm.s32 $_size_execute0_lowered;
	s5 =	sadd.s32 s5, s7;
	[dreg:$0x0] =	wrdreg $0x0  }
0xaa: {  	s7 =	sshll.u32 s28, $0x1;
	[dreg:$0x2] =	wrdreg s5  }
0xab: {  	[dreg:$0x3] =	wrdreg s7  }
0xac: {  	[dreg:$0x4] =	wrdreg $0xC0  }
0xad: {  	_ =	task [dreg:s9], $0x5FFFF  }
0xae: {  	[dreg:$0x1] =	wrdreg $0xFFFFFFFF  }
0xaf: {  	[dreg:$0x0] =	wrdreg $0x60  }
0xb0: {  	[dreg:$0x2] =	wrdreg s2  }
0xb1: {  	[dreg:$0x3] =	wrdreg s18  }
0xb2: {  	[dreg:$0x4] =	wrdreg s24  }
0xb3: {  	[dreg:$0x5] =	wrdreg s4  }
0xb4: {  	[dreg:$0x6] =	wrdreg $0x9  }
0xb5: {  	_ =	task.clear_ibuf [dreg:s9], $0x7FFFF;
	_ =	strace $0x90000046  }
0xb6: {  	s29 =	simm.s32 $0x9;
	_ =	strace $0x80000048  }
0xb7: {  	_ =	swait.ge [sflag:s29], $0x1  }
0xb8: {  	[sflag:s29] =	ssyncadd.s32 $0xFFFFFFFF  }
0xb9: {  	_ =	strace $0x90000048  }
0xba: {  	_ =	sfence  }
0xbb: {  	s30 =	sld [smem:$0x0];
	_ =	sdelay $0x2  }
0xbc: {  	s31 =	sshll.u32 s1, $0xD;
	s1 =	sshrl.u32 s1, $0x2  }
0xbd: {  	s3 =	sand.u32 $0x4000, s31;
	s1 =	sadd.s32 s1, s30  }
0xbe: {  	s0 =	sor.u32 s3, s0;
	s1 =	sshll.u32 s1, $0x11  }
0xbf: {  	s0 =	sor.u32 s1, s0  }
0xc0: {  	s0 =	sadd.s32 $0x8F2B, s0  }
0xc1: {  	[sflag:s0] =	ssyncadd.remote.s32 $0x1  }
0xc2: {  	_ =	sfence.sel $0xFFFF  }
0xc3: {  	[dreg:$0x0] =	wrdreg $0xFFFFFFFF;
	(pc) =	sbr.abs _section_cstart, $3  }
0xc4: {  	[dreg:$0x1] =	wrdreg $0xFFFFFFFF  }
0xc5: {  	_ =	task.clear_ibuf [dreg:s9], $0x2FFFF;
	_ =	strace $0x9FFFFFFF  }
0xc6: {  	(tm) =	ssettm $0x7FFFFFFF  }
0xc7: {  	_ =	shalt  }
tec
execute0_lowered:
.L_overlay_start_1:
0x0: {  	(tag) =	ssettag $0x1  }
0x1: {  	s3 =	rddreg [dreg:$0x0]  }
0x2: {  	s5 =	rddreg [dreg:$0x1];
	s1 =	srdreg.scid  }
0x3: {  	s10 =	rddreg [dreg:$0x2];
	s0 =	stileid.u32;
	s28 =	sand.u32 $0x1, s1  }
0x4: {  	s13 =	rddreg [dreg:$0x3];
	s4 =	sshll.u32 s0, $0xA;
	s6 =	sshll.u32 s28, $0x9  }
0x5: {  	s2 =	simm.s32 $0x0;
	s1 =	rddreg [dreg:$0x4];
	s14 =	sor.u32 s6, s4  }
0x6: {  	[smem:$0x7FF] =	sst s2;
	s6 =	sshrl.u32 s14, $0x3  }
0x7: {  	_ =	strace $0x80000047;
	s4 =	sadd.s32 s3, s6;
	s3 =	simm.s32 $0x3  }
0x8: {  	[tilespmem:s2], [sflag:$0x3] =	stream.linear.gather [hbm4b:s4+s2], $0x200, $0x38;
	[tilespmem:$0x4400] =	vst v63  }
0x9: {  	_ =	swait.ge [sflag:s3], $0x200  }
0xa: {  	[sflag:s3] =	ssyncset.done $0x0  }
0xb: {  	s5 =	sadd.s32 s5, s6;
	s6 =	simm.s32 $0x200;
	[sflag:s3] =	ssyncadd.s32 $0xFFFFFE00  }
0xc: {  	[tilespmem:s6], [sflag:$0x3] =	stream.linear.gather [hbm4b:s5+s2], $0x200, $0x38;
	[tilespmem:$0x4400] =	vst v63  }
0xd: {  	_ =	swait.ge [sflag:s3], $0x200  }
0xe: {  	s8 =	simm.s32 $0x80;
	[sflag:s3] =	ssyncset.done $0x0  }
0xf: {  	s9 =	simm.s32 $0x400;
	s7 =	sadd.s32 $0x188A00, s10;
	[sflag:s3] =	ssyncadd.s32 $0xFFFFFE00  }
0x10: {  	[tilespmem:s9], [sflag:$0x1] =	stream.indirect.gather [hbm4b:s7+s8], $0x40, s2, s8, $0xb8;
	[tilespmem:$0x4400] =	vst v63  }
0x11: {  	s11 =	simm.s32 $0x2400;
	s12 =	simm.s32 $0x1;
	s10 =	sadd.s32 $0x24C000, s10  }
0x12: {  	[tilespmem:s11], [sflag:$0x2] =	stream.indirect.gather [hbm4b:s10+s8], $0x40, s6, s8, $0xb8;
	[tilespmem:$0x4400] =	vst v63  }
0x13: {  	_ =	swait.ge [sflag:s12], $0x2000  }
0x14: {  	s14 =	sshll.u32 s14, $0x4;
	[sflag:s12] =	ssyncset.done $0x0  }
0x15: {  	s13 =	sadd.s32 s13, s14;
	s14 =	simm.s32 $0x40;
	[sflag:s12] =	ssyncadd.s32 $0xFFFFE000  }
0x16: {  	[hbm4b:s13+s14] =	stream.strided.scatter [tilespmem:s9], [sflag:$0x3], $0x2000, s8, s14, $0x38;
	[tilespmem:$0x4400] =	vst v63  }
0x17: {  	_ =	swait.ge [sflag:s3], $0x2000  }
0x18: {  	[sflag:s3] =	ssyncset.done $0x0  }
0x19: {  	s15 =	simm.s32 $0x2;
	[sflag:s3] =	ssyncadd.s32 $0xFFFFE000  }
0x1a: {  	_ =	swait.ge [sflag:s15], $0x2000  }
0x1b: {  	[sflag:s15] =	ssyncset.done $0x0  }
0x1c: {  	s16 =	sadd.s32 $0x8, s13;
	[sflag:s15] =	ssyncadd.s32 $0xFFFFE000  }
0x1d: {  	[hbm4b:s16+s14] =	stream.strided.scatter [tilespmem:s11], [sflag:$0x3], $0x2000, s8, s14, $0x38;
	[tilespmem:$0x4400] =	vst v63  }
0x1e: {  	_ =	swait.ge [sflag:s3], $0x2000  }
0x1f: {  	[sflag:s3] =	ssyncset.done $0x0  }
0x20: {  	[sflag:s3] =	ssyncadd.s32 $0xFFFFE000  }
0x21: {  	[tilespmem:s9], [sflag:$0x1] =	stream.indirect.gather [hbm4b:s7+s8], $0x40, s8, s8, $0xb8;
	[tilespmem:$0x4400] =	vst v63  }
0x22: {  	s17 =	simm.s32 $0x280  }
0x23: {  	[tilespmem:s11], [sflag:$0x2] =	stream.indirect.gather [hbm4b:s10+s8], $0x40, s17, s8, $0xb8;
	[tilespmem:$0x4400] =	vst v63  }
0x24: {  	_ =	swait.ge [sflag:s12], $0x2000  }
0x25: {  	[sflag:s12] =	ssyncset.done $0x0  }
0x26: {  	s18 =	sadd.s32 $0x800, s13;
	[sflag:s12] =	ssyncadd.s32 $0xFFFFE000  }
0x27: {  	[hbm4b:s18+s14] =	stream.strided.scatter [tilespmem:s9], [sflag:$0x3], $0x2000, s8, s14, $0x38;
	[tilespmem:$0x4400] =	vst v63  }
0x28: {  	_ =	swait.ge [sflag:s3], $0x2000  }
0x29: {  	[sflag:s3] =	ssyncset.done $0x0  }
0x2a: {  	[sflag:s3] =	ssyncadd.s32 $0xFFFFE000  }
0x2b: {  	_ =	swait.ge [sflag:s15], $0x2000  }
0x2c: {  	[sflag:s15] =	ssyncset.done $0x0  }
0x2d: {  	s19 =	sadd.s32 $0x808, s13;
	[sflag:s15] =	ssyncadd.s32 $0xFFFFE000  }
0x2e: {  	[hbm4b:s19+s14] =	stream.strided.scatter [tilespmem:s11], [sflag:$0x3], $0x2000, s8, s14, $0x38;
	[tilespmem:$0x4400] =	vst v63  }
0x2f: {  	_ =	swait.ge [sflag:s3], $0x2000  }
0x30: {  	[sflag:s3] =	ssyncset.done $0x0  }
0x31: {  	s20 =	simm.s32 $0x100;
	[sflag:s3] =	ssyncadd.s32 $0xFFFFE000  }
0x32: {  	[tilespmem:s9], [sflag:$0x1] =	stream.indirect.gather [hbm4b:s7+s8], $0x40, s20, s8, $0xb8;
	[tilespmem:$0x4400] =	vst v63  }
0x33: {  	s21 =	simm.s32 $0x300  }
0x34: {  	[tilespmem:s11], [sflag:$0x2] =	stream.indirect.gather [hbm4b:s10+s8], $0x40, s21, s8, $0xb8;
	[tilespmem:$0x4400] =	vst v63  }
0x35: {  	_ =	swait.ge [sflag:s12], $0x2000  }
0x36: {  	[sflag:s12] =	ssyncset.done $0x0  }
0x37: {  	s22 =	sadd.s32 $0x1000, s13;
	[sflag:s12] =	ssyncadd.s32 $0xFFFFE000  }
0x38: {  	[hbm4b:s22+s14] =	stream.strided.scatter [tilespmem:s9], [sflag:$0x3], $0x2000, s8, s14, $0x38;
	[tilespmem:$0x4400] =	vst v63  }
0x39: {  	_ =	swait.ge [sflag:s3], $0x2000  }
0x3a: {  	[sflag:s3] =	ssyncset.done $0x0  }
0x3b: {  	[sflag:s3] =	ssyncadd.s32 $0xFFFFE000  }
0x3c: {  	_ =	swait.ge [sflag:s15], $0x2000  }
0x3d: {  	[sflag:s15] =	ssyncset.done $0x0  }
0x3e: {  	s23 =	sadd.s32 $0x1008, s13;
	[sflag:s15] =	ssyncadd.s32 $0xFFFFE000  }
0x3f: {  	[hbm4b:s23+s14] =	stream.strided.scatter [tilespmem:s11], [sflag:$0x3], $0x2000, s8, s14, $0x38;
	[tilespmem:$0x4400] =	vst v63  }
0x40: {  	_ =	swait.ge [sflag:s3], $0x2000  }
0x41: {  	[sflag:s3] =	ssyncset.done $0x0  }
0x42: {  	s24 =	simm.s32 $0x180;
	[sflag:s3] =	ssyncadd.s32 $0xFFFFE000  }
0x43: {  	[tilespmem:s9], [sflag:$0x1] =	stream.indirect.gather [hbm4b:s7+s8], $0x40, s24, s8, $0xb8;
	[tilespmem:$0x4400] =	vst v63  }
0x44: {  	s25 =	simm.s32 $0x380  }
0x45: {  	[tilespmem:s11], [sflag:$0x2] =	stream.indirect.gather [hbm4b:s10+s8], $0x40, s25, s8, $0xb8;
	[tilespmem:$0x4400] =	vst v63  }
0x46: {  	_ =	swait.ge [sflag:s12], $0x2000  }
0x47: {  	[sflag:s12] =	ssyncset.done $0x0  }
0x48: {  	s28 =	ssub.s32 $0x2, s28;
	s26 =	sadd.s32 $0x1800, s13;
	[sflag:s12] =	ssyncadd.s32 $0xFFFFE000  }
0x49: {  	[hbm4b:s26+s14] =	stream.strided.scatter [tilespmem:s9], [sflag:$0x3], $0x2000, s8, s14, $0x38;
	[tilespmem:$0x4400] =	vst v63  }
0x4a: {  	s29 =	sshrl.u32 s28, $0x1;
	_ =	swait.ge [sflag:s3], $0x2000  }
0x4b: {  	s28 =	ssub.s32 s28, s29;
	[sflag:s3] =	ssyncset.done $0x0  }
0x4c: {  	s29 =	smax.u32 s28, $0x1;
	[sflag:s3] =	ssyncadd.s32 $0xFFFFE000  }
0x4d: {  	p0 =	sne.s32 s29, $0x1;
	_ =	swait.ge [sflag:s15], $0x2000  }
.Ltmp0:
0x4e: {  	[sflag:s15] =	ssyncset.done $0x0;
	(pc) =	sbr.rel @!p0 .LBB2_2-.Ltmp0, $4  }
0x4f: {  	s28 =	sadd.s32 $0x1808, s13;
	[sflag:s15] =	ssyncadd.s32 $0xFFFFE000  }
0x50: {  	[hbm4b:s28+s14] =	stream.strided.scatter [tilespmem:s11], [sflag:$0x3], $0x2000, s8, s14, $0x38;
	[tilespmem:$0x4400] =	vst v63  }
0x51: {  	_ =	swait.ge [sflag:s3], $0x2000  }
0x52: {  	s29 =	sadd.s32 $0xFFFFFFFF, s29;
	[sflag:s3] =	ssyncset.done $0x0  }
.LBB2_1:
0x53: {  	p0 =	sne.s32 s29, $0x1;
	s29 =	sadd.s32 $0xFFFFFFFF, s29;
	[sflag:s3] =	ssyncadd.s32 $0xFFFFE000  }
0x54: {  	[tilespmem:s2], [sflag:$0x3] =	stream.linear.gather [hbm4b:s4+s2], $0x200, $0x38;
	[tilespmem:$0x4400] =	vst v63  }
0x55: {  	_ =	swait.ge [sflag:s3], $0x200  }
0x56: {  	[sflag:s3] =	ssyncset.done $0x0  }
0x57: {  	[sflag:s3] =	ssyncadd.s32 $0xFFFFFE00  }
0x58: {  	[tilespmem:s6], [sflag:$0x3] =	stream.linear.gather [hbm4b:s5+s2], $0x200, $0x38;
	[tilespmem:$0x4400] =	vst v63  }
0x59: {  	_ =	swait.ge [sflag:s3], $0x200  }
0x5a: {  	[sflag:s3] =	ssyncset.done $0x0  }
0x5b: {  	[sflag:s3] =	ssyncadd.s32 $0xFFFFFE00  }
0x5c: {  	[tilespmem:s9], [sflag:$0x1] =	stream.indirect.gather [hbm4b:s7+s8], $0x40, s2, s8, $0xb8;
	[tilespmem:$0x4400] =	vst v63  }
0x5d: {  	_ = 	snop  }
0x5e: {  	[tilespmem:s11], [sflag:$0x2] =	stream.indirect.gather [hbm4b:s10+s8], $0x40, s6, s8, $0xb8;
	[tilespmem:$0x4400] =	vst v63  }
0x5f: {  	_ =	swait.ge [sflag:s12], $0x2000  }
0x60: {  	[sflag:s12] =	ssyncset.done $0x0  }
0x61: {  	[sflag:s12] =	ssyncadd.s32 $0xFFFFE000  }
0x62: {  	[hbm4b:s13+s14] =	stream.strided.scatter [tilespmem:s9], [sflag:$0x3], $0x2000, s8, s14, $0x38;
	[tilespmem:$0x4400] =	vst v63  }
0x63: {  	_ =	swait.ge [sflag:s3], $0x2000  }
0x64: {  	[sflag:s3] =	ssyncset.done $0x0  }
0x65: {  	[sflag:s3] =	ssyncadd.s32 $0xFFFFE000  }
0x66: {  	_ =	swait.ge [sflag:s15], $0x2000  }
0x67: {  	[sflag:s15] =	ssyncset.done $0x0  }
0x68: {  	[sflag:s15] =	ssyncadd.s32 $0xFFFFE000  }
0x69: {  	[hbm4b:s16+s14] =	stream.strided.scatter [tilespmem:s11], [sflag:$0x3], $0x2000, s8, s14, $0x38;
	[tilespmem:$0x4400] =	vst v63  }
0x6a: {  	_ =	swait.ge [sflag:s3], $0x2000  }
0x6b: {  	[sflag:s3] =	ssyncset.done $0x0  }
0x6c: {  	[sflag:s3] =	ssyncadd.s32 $0xFFFFE000  }
0x6d: {  	[tilespmem:s9], [sflag:$0x1] =	stream.indirect.gather [hbm4b:s7+s8], $0x40, s8, s8, $0xb8;
	[tilespmem:$0x4400] =	vst v63  }
0x6e: {  	_ = 	snop  }
0x6f: {  	[tilespmem:s11], [sflag:$0x2] =	stream.indirect.gather [hbm4b:s10+s8], $0x40, s17, s8, $0xb8;
	[tilespmem:$0x4400] =	vst v63  }
0x70: {  	_ =	swait.ge [sflag:s12], $0x2000  }
0x71: {  	[sflag:s12] =	ssyncset.done $0x0  }
0x72: {  	[sflag:s12] =	ssyncadd.s32 $0xFFFFE000  }
0x73: {  	[hbm4b:s18+s14] =	stream.strided.scatter [tilespmem:s9], [sflag:$0x3], $0x2000, s8, s14, $0x38;
	[tilespmem:$0x4400] =	vst v63  }
0x74: {  	_ =	swait.ge [sflag:s3], $0x2000  }
0x75: {  	[sflag:s3] =	ssyncset.done $0x0  }
0x76: {  	[sflag:s3] =	ssyncadd.s32 $0xFFFFE000  }
0x77: {  	_ =	swait.ge [sflag:s15], $0x2000  }
0x78: {  	[sflag:s15] =	ssyncset.done $0x0  }
0x79: {  	[sflag:s15] =	ssyncadd.s32 $0xFFFFE000  }
0x7a: {  	[hbm4b:s19+s14] =	stream.strided.scatter [tilespmem:s11], [sflag:$0x3], $0x2000, s8, s14, $0x38;
	[tilespmem:$0x4400] =	vst v63  }
0x7b: {  	_ =	swait.ge [sflag:s3], $0x2000  }
0x7c: {  	[sflag:s3] =	ssyncset.done $0x0  }
0x7d: {  	[sflag:s3] =	ssyncadd.s32 $0xFFFFE000  }
0x7e: {  	[tilespmem:s9], [sflag:$0x1] =	stream.indirect.gather [hbm4b:s7+s8], $0x40, s20, s8, $0xb8;
	[tilespmem:$0x4400] =	vst v63  }
0x7f: {  	_ = 	snop  }
0x80: {  	[tilespmem:s11], [sflag:$0x2] =	stream.indirect.gather [hbm4b:s10+s8], $0x40, s21, s8, $0xb8;
	[tilespmem:$0x4400] =	vst v63  }
0x81: {  	_ =	swait.ge [sflag:s12], $0x2000  }
0x82: {  	[sflag:s12] =	ssyncset.done $0x0  }
0x83: {  	[sflag:s12] =	ssyncadd.s32 $0xFFFFE000  }
0x84: {  	[hbm4b:s22+s14] =	stream.strided.scatter [tilespmem:s9], [sflag:$0x3], $0x2000, s8, s14, $0x38;
	[tilespmem:$0x4400] =	vst v63  }
0x85: {  	_ =	swait.ge [sflag:s3], $0x2000  }
0x86: {  	[sflag:s3] =	ssyncset.done $0x0  }
0x87: {  	[sflag:s3] =	ssyncadd.s32 $0xFFFFE000  }
0x88: {  	_ =	swait.ge [sflag:s15], $0x2000  }
0x89: {  	[sflag:s15] =	ssyncset.done $0x0  }
0x8a: {  	[sflag:s15] =	ssyncadd.s32 $0xFFFFE000  }
0x8b: {  	[hbm4b:s23+s14] =	stream.strided.scatter [tilespmem:s11], [sflag:$0x3], $0x2000, s8, s14, $0x38;
	[tilespmem:$0x4400] =	vst v63  }
0x8c: {  	_ =	swait.ge [sflag:s3], $0x2000  }
0x8d: {  	[sflag:s3] =	ssyncset.done $0x0  }
0x8e: {  	[sflag:s3] =	ssyncadd.s32 $0xFFFFE000  }
0x8f: {  	[tilespmem:s9], [sflag:$0x1] =	stream.indirect.gather [hbm4b:s7+s8], $0x40, s24, s8, $0xb8;
	[tilespmem:$0x4400] =	vst v63  }
0x90: {  	_ = 	snop  }
0x91: {  	[tilespmem:s11], [sflag:$0x2] =	stream.indirect.gather [hbm4b:s10+s8], $0x40, s25, s8, $0xb8;
	[tilespmem:$0x4400] =	vst v63  }
0x92: {  	_ =	swait.ge [sflag:s12], $0x2000  }
0x93: {  	[sflag:s12] =	ssyncset.done $0x0  }
0x94: {  	[sflag:s12] =	ssyncadd.s32 $0xFFFFE000  }
0x95: {  	[hbm4b:s26+s14] =	stream.strided.scatter [tilespmem:s9], [sflag:$0x3], $0x2000, s8, s14, $0x38;
	[tilespmem:$0x4400] =	vst v63  }
0x96: {  	_ =	swait.ge [sflag:s3], $0x2000  }
0x97: {  	[sflag:s3] =	ssyncset.done $0x0  }
0x98: {  	[sflag:s3] =	ssyncadd.s32 $0xFFFFE000  }
0x99: {  	_ =	swait.ge [sflag:s15], $0x2000  }
.Ltmp1:
0x9a: {  	[sflag:s15] =	ssyncset.done $0x0;
	(pc) =	sbr.rel @p0 .LBB2_1-.Ltmp1, $4  }
0x9b: {  	[sflag:s15] =	ssyncadd.s32 $0xFFFFE000  }
0x9c: {  	[hbm4b:s28+s14] =	stream.strided.scatter [tilespmem:s11], [sflag:$0x3], $0x2000, s8, s14, $0x38;
	[tilespmem:$0x4400] =	vst v63  }
0x9d: {  	_ =	swait.ge [sflag:s3], $0x2000  }
0x9e: {  	[sflag:s3] =	ssyncset.done $0x0  }
.LBB2_2:
0x9f: {  	[sflag:s3] =	ssyncadd.s32 $0xFFFFE000  }
0xa0: {  	_ =	sfence.sel $0x180000  }
0xa1: {  	[bflag:$0x0] =	sbarrier.arrive $0xFFFF  }
0xa2: {  	p0 =	sne.s32 s0, $0x0;
	_ =	strace $0x90000047  }
0xa3: {  	s0 =	sadd.s32 @!p0 $0x100000, s1;
	[bflag:$0x2] =	sbarrier.arrive $0xFFFF  }
0xa4: {  	[sflag:s0] =	ssyncadd.tile.s32 @!p0 $0x1;
	_ =	shalt  }
.Lfunc_end2:
_tile_overlayer_lowered:
.L_overlay_start_2:
0xa5: {  	(tag) =	ssettag $0x2  }
0xa6: {  	s0 =	rddreg [dreg:$0x0];
	s2 =	stileid.u32  }
0xa7: {  	s1 =	rddreg [dreg:$0x1];
	p0 =	sne.s32 s2, $0x0  }
0xa8: {  	s3 =	rddreg [dreg:$0x2];
	[bflag:$0x3] =	sbarrier.arrive $0xFFFF;
	s2 =	simm.s32 @!p0 $0x1C03  }
0xa9: {  	[timem:s3], [sflag:s2] =	dma.local @!p0 [hbm:s0], s1  }
0xaa: {  	s0 =	simm.s32 @!p0 $0x3  }
0xab: {  	_ =	swait.ge @!p0 [sflag:s0], s1  }
0xac: {  	s1 =	ssub.s32 @!p0 $0x0, s1;
	[sflag:s0] =	ssyncset.done @!p0 $0x0  }
0xad: {  	[sflag:s0] =	ssyncadd.s32 @!p0 s1  }
0xae: {  	[bflag:$0x3] =	sbarrier.arrive $0xFFFF  }
0xaf: {  	_ =	shalt  }

</sc_bundles>
